<compile_context>
chip_gen: v7x
topology: tpu7x:2x2x1
jax: 0.10.2.dev20260603
libtpu: 0.0.44.dev20260713+nightly
codegen_flags: <defaults>
</compile_context>

<pallas_src>
import functools

import jax
import jax.numpy as jnp
from jax import lax
from jax.experimental import pallas as pl
from jax.experimental.pallas import tpu as pltpu
from jax.experimental.pallas import tpu_sc as plsc

B = 16384
GLOBAL_VOCAB = 1000000
LOCAL_VOCAB = 100000
DIM = 32


@functools.lru_cache(maxsize=1)
def _build():
    info = plsc.get_sparse_core_info()
    NC, NS = info.num_cores, info.num_subcores
    NW = NC * NS
    bpw = B // NW
    mesh = plsc.VectorSubcoreMesh(core_axis_name="c", subcore_axis_name="s")

    @functools.partial(
        pl.kernel,
        mesh=mesh,
        compiler_params=pltpu.CompilerParams(use_tc_tiling_on_sc=False,
                                             needs_layout_passes=False),
        out_type=(
            jax.ShapeDtypeStruct((4 * B, 16), jnp.float32),
            jax.ShapeDtypeStruct((4 * B, 16), jnp.float32),
        ),
        scratch_types=[
            pltpu.VMEM((bpw,), jnp.int32),
            pltpu.VMEM((bpw,), jnp.int32),
            pltpu.VMEM((bpw,), jnp.int32),
            pltpu.VMEM((bpw,), jnp.int32),
            pltpu.VMEM((2 * bpw,), jnp.int32),
            pltpu.VMEM((2 * bpw,), jnp.int32),
            pltpu.VMEM((2 * bpw,), jnp.int32),
            pltpu.VMEM((2 * bpw,), jnp.int32),
            pltpu.VMEM((2 * bpw,), jnp.int32),
            pltpu.VMEM((2 * bpw,), jnp.int32),
            pltpu.VMEM((2 * bpw, 16), jnp.float32),
            pltpu.VMEM((2 * bpw, 16), jnp.float32),
            pltpu.VMEM((2 * bpw, 16), jnp.float32),
            pltpu.VMEM((2 * bpw, 16), jnp.float32),
            pltpu.SemaphoreType.DMA,
            pltpu.SemaphoreType.DMA,
        ],
    )
    def k(Wu, Wi, Wa, Wb, uid, iid, ca, cb, ou_hbm, oi_hbm, g_out, l_out,
          idx_u, idx_i, idx_a, idx_b,
          x2_u, x2_i, x2_a, x2_b, oidx_u, oidx_i,
          r_u, r_i, r_a, r_b, sem, sem2):
        wid = lax.axis_index("s") * NC + lax.axis_index("c")
        base = wid * bpw
        pltpu.sync_copy(uid.at[pl.ds(base, bpw)], idx_u)
        pltpu.sync_copy(iid.at[pl.ds(base, bpw)], idx_i)
        pltpu.sync_copy(ca.at[pl.ds(base, bpw)], idx_a)
        pltpu.sync_copy(cb.at[pl.ds(base, bpw)], idx_b)
        pltpu.sync_copy(ou_hbm.at[pl.ds(2 * base, 2 * bpw)], oidx_u)
        pltpu.sync_copy(oi_hbm.at[pl.ds(2 * base, 2 * bpw)], oidx_i)

        lane = lax.iota(jnp.int32, 16)

        def expand(c, _):
            pos = 32 * c + 2 * lane
            for src, dst in ((idx_u, x2_u), (idx_i, x2_i),
                             (idx_a, x2_a), (idx_b, x2_b)):
                v = 2 * src[pl.ds(c * 16, 16)]
                plsc.store_scatter(dst, [pos], v)
                plsc.store_scatter(dst, [pos + 1], v + 1)
            return _

        lax.fori_loop(0, bpw // 16, expand, 0)

        du = pltpu.async_copy(Wu.at[x2_u], r_u, sem)
        di = pltpu.async_copy(Wi.at[x2_i], r_i, sem)
        da = pltpu.async_copy(Wa.at[x2_a], r_a, sem)
        db = pltpu.async_copy(Wb.at[x2_b], r_b, sem)
        du.wait()
        su = pltpu.async_copy(r_u, g_out.at[oidx_u], sem2)
        di.wait()
        si = pltpu.async_copy(r_i, g_out.at[oidx_i], sem2)
        da.wait()
        sa = pltpu.async_copy(r_a, l_out.at[oidx_u], sem2)
        db.wait()
        sb = pltpu.async_copy(r_b, l_out.at[oidx_i], sem2)
        su.wait()
        si.wait()
        sa.wait()
        sb.wait()

    return k


def kernel(W_user, W_item, W_cat_a, W_cat_b, user_id, item_id, cat_a, cat_b):
    k = _build()
    b4 = 4 * jnp.arange(B, dtype=jnp.int32)
    ou = jnp.stack([b4, b4 + 1], axis=1).reshape(-1)
    oi = ou + 2
    g4, l4 = k(W_user.reshape(-1, 16), W_item.reshape(-1, 16),
               W_cat_a.reshape(-1, 16), W_cat_b.reshape(-1, 16),
               user_id.astype(jnp.int32), item_id.astype(jnp.int32),
               cat_a.astype(jnp.int32), cat_b.astype(jnp.int32),
               ou, oi)
    return (g4.reshape(B, 2 * DIM), l4.reshape(B, 2 * DIM))

# --- scband reference (transcript-rebuilt; emitter-appended) ---
"""Pipeline reference for scband-global-local-embeddings-14310831030570 (READ-ONLY COPY).

The authoritative reference and input builder live on the scoring server;
editing this copy changes nothing except your own understanding.
"""

import jax, jax.numpy as jnp
import numpy as np

B = 16384
GLOBAL_VOCAB = 1000000
LOCAL_VOCAB = 100000
DIM = 32

def setup_inputs(seed: int = 0) -> dict:
    key = jax.random.key(seed)
    k = jax.random.split(key, 8)
    user_id = jax.random.randint(k[0], (B,), 0, GLOBAL_VOCAB, dtype=jnp.int32).astype(jnp.int64) if False else jax.random.randint(k[0], (B,), 0, GLOBAL_VOCAB)
    item_id = jax.random.randint(k[1], (B,), 0, GLOBAL_VOCAB)
    cat_a = jax.random.randint(k[2], (B,), 0, LOCAL_VOCAB)
    cat_b = jax.random.randint(k[3], (B,), 0, LOCAL_VOCAB)
    W_user = jax.random.normal(k[4], (GLOBAL_VOCAB, DIM), dtype=jnp.float32) * 0.02
    W_item = jax.random.normal(k[5], (GLOBAL_VOCAB, DIM), dtype=jnp.float32) * 0.02
    W_cat_a = jax.random.normal(k[6], (LOCAL_VOCAB, DIM), dtype=jnp.float32) * 0.02
    W_cat_b = jax.random.normal(k[7], (LOCAL_VOCAB, DIM), dtype=jnp.float32) * 0.02
    return {"W_user": W_user, "W_item": W_item, "W_cat_a": W_cat_a, "W_cat_b": W_cat_b,
            "user_id": user_id, "item_id": item_id, "cat_a": cat_a, "cat_b": cat_b}

def reference(W_user, W_item, W_cat_a, W_cat_b, user_id, item_id, cat_a, cat_b):
    # GlobalLocalEmbeddings.forward: route each keyed input to its owning
    # embedding collection, look up, and return the (global, local) pair.
    # Each collection concatenates its per-feature embeddings along the last dim.
    g_user = jnp.take(W_user, user_id, axis=0)
    g_item = jnp.take(W_item, item_id, axis=0)
    global_out = jnp.concatenate([g_user, g_item], axis=-1)
    l_a = jnp.take(W_cat_a, cat_a, axis=0)
    l_b = jnp.take(W_cat_b, cat_b, axis=0)
    local_out = jnp.concatenate([l_a, l_b], axis=-1)
    return (global_out, local_out)

if __name__ == "__main__":
    import jax
    _d = setup_inputs()
    print(jax.jit(kernel)(*tuple(_d.values())))

</pallas_src>

<mosaic_0001>
#map = affine_map<(d0, d1) -> (0, 0)>
#map1 = affine_map<(d0, d1) -> (0)>
module attributes {stable_mosaic.version = 14 : i64} {
  func.func @k(%arg0: i32, %arg1: i32, %arg2: memref<2000000x16xf32, #tpu.memory_space<hbm>>, %arg3: memref<2000000x16xf32, #tpu.memory_space<hbm>>, %arg4: memref<200000x16xf32, #tpu.memory_space<hbm>>, %arg5: memref<200000x16xf32, #tpu.memory_space<hbm>>, %arg6: memref<16384xi32, #tpu.memory_space<hbm>>, %arg7: memref<16384xi32, #tpu.memory_space<hbm>>, %arg8: memref<16384xi32, #tpu.memory_space<hbm>>, %arg9: memref<16384xi32, #tpu.memory_space<hbm>>, %arg10: memref<32768xi32, #tpu.memory_space<hbm>>, %arg11: memref<32768xi32, #tpu.memory_space<hbm>>, %arg12: memref<65536x16xf32, #tpu.memory_space<hbm>>, %arg13: memref<65536x16xf32, #tpu.memory_space<hbm>>, %arg14: memref<512xi32, #tpu.memory_space<vmem>>, %arg15: memref<512xi32, #tpu.memory_space<vmem>>, %arg16: memref<512xi32, #tpu.memory_space<vmem>>, %arg17: memref<512xi32, #tpu.memory_space<vmem>>, %arg18: memref<1024xi32, #tpu.memory_space<vmem>>, %arg19: memref<1024xi32, #tpu.memory_space<vmem>>, %arg20: memref<1024xi32, #tpu.memory_space<vmem>>, %arg21: memref<1024xi32, #tpu.memory_space<vmem>>, %arg22: memref<1024xi32, #tpu.memory_space<vmem>>, %arg23: memref<1024xi32, #tpu.memory_space<vmem>>, %arg24: memref<1024x16xf32, #tpu.memory_space<vmem>>, %arg25: memref<1024x16xf32, #tpu.memory_space<vmem>>, %arg26: memref<1024x16xf32, #tpu.memory_space<vmem>>, %arg27: memref<1024x16xf32, #tpu.memory_space<vmem>>, %arg28: memref<!tpu.dma_semaphore, #tpu.memory_space<semaphore_mem>>, %arg29: memref<!tpu.dma_semaphore, #tpu.memory_space<semaphore_mem>>) attributes {dimension_semantics = [#tpu.dimension_semantics<core_parallel>, #tpu.dimension_semantics<subcore_parallel>], iteration_bounds = array<i64: 2, 16>, scalar_prefetch = 0 : i64, scratch_operands = 16 : i64, tpu.core_type = #tpu.core_type<sc_vector_subcore>, window_params = [{transform_indices = #map}, {transform_indices = #map}, {transform_indices = #map}, {transform_indices = #map}, {transform_indices = #map1}, {transform_indices = #map1}, {transform_indices = #map1}, {transform_indices = #map1}, {transform_indices = #map1}, {transform_indices = #map1}, {transform_indices = #map}, {transform_indices = #map}]} {
    %mul3A = arith.constant 2 : i32
    %mul3A_0 = arith.muli %arg1, %mul3A : i32
    %add3A = arith.addi %mul3A_0, %arg0 : i32
    %mul3A_1 = arith.constant 512 : i32
    %mul3A_2 = arith.muli %add3A, %mul3A_1 : i32
    "tpu.region"() ({
      %run_scoped3A = tpu.sem_alloc : memref<!tpu.dma_semaphore, #tpu.memory_space<semaphore_mem>>
      %dma_start3A_58 = tpu.memref_slice %arg6[%mul3A_2] : memref<16384xi32, #tpu.memory_space<hbm>> -> memref<512xi32, #tpu.memory_space<hbm>>
      %dma_start3A_59 = tpu.memref_slice %arg6[%mul3A_2] : memref<16384xi32, #tpu.memory_space<hbm>> -> memref<512xi32, #tpu.memory_space<hbm>>
      tpu.enqueue_dma source(%dma_start3A_59 : memref<512xi32, #tpu.memory_space<hbm>>) target(%arg14 : memref<512xi32, #tpu.memory_space<vmem>>) target_semaphore(%run_scoped3A : memref<!tpu.dma_semaphore, #tpu.memory_space<semaphore_mem>>)
      %dma_wait3A_60 = tpu.memref_slice %arg6[%mul3A_2] : memref<16384xi32, #tpu.memory_space<hbm>> -> memref<512xi32, #tpu.memory_space<hbm>>
      %dma_wait3A_61 = tpu.memref_slice %arg6[%mul3A_2] : memref<16384xi32, #tpu.memory_space<hbm>> -> memref<512xi32, #tpu.memory_space<hbm>>
      tpu.wait_dma2 semaphore(%run_scoped3A : memref<!tpu.dma_semaphore, #tpu.memory_space<semaphore_mem>>) src(%dma_wait3A_61 : memref<512xi32, #tpu.memory_space<hbm>>) dst(%arg14 : memref<512xi32, #tpu.memory_space<vmem>>)
      tpu.yield
    }) : () -> ()
    "tpu.region"() ({
      %run_scoped3A = tpu.sem_alloc : memref<!tpu.dma_semaphore, #tpu.memory_space<semaphore_mem>>
      %dma_start3A_58 = tpu.memref_slice %arg7[%mul3A_2] : memref<16384xi32, #tpu.memory_space<hbm>> -> memref<512xi32, #tpu.memory_space<hbm>>
      %dma_start3A_59 = tpu.memref_slice %arg7[%mul3A_2] : memref<16384xi32, #tpu.memory_space<hbm>> -> memref<512xi32, #tpu.memory_space<hbm>>
      tpu.enqueue_dma source(%dma_start3A_59 : memref<512xi32, #tpu.memory_space<hbm>>) target(%arg15 : memref<512xi32, #tpu.memory_space<vmem>>) target_semaphore(%run_scoped3A : memref<!tpu.dma_semaphore, #tpu.memory_space<semaphore_mem>>)
      %dma_wait3A_60 = tpu.memref_slice %arg7[%mul3A_2] : memref<16384xi32, #tpu.memory_space<hbm>> -> memref<512xi32, #tpu.memory_space<hbm>>
      %dma_wait3A_61 = tpu.memref_slice %arg7[%mul3A_2] : memref<16384xi32, #tpu.memory_space<hbm>> -> memref<512xi32, #tpu.memory_space<hbm>>
      tpu.wait_dma2 semaphore(%run_scoped3A : memref<!tpu.dma_semaphore, #tpu.memory_space<semaphore_mem>>) src(%dma_wait3A_61 : memref<512xi32, #tpu.memory_space<hbm>>) dst(%arg15 : memref<512xi32, #tpu.memory_space<vmem>>)
      tpu.yield
    }) : () -> ()
    "tpu.region"() ({
      %run_scoped3A = tpu.sem_alloc : memref<!tpu.dma_semaphore, #tpu.memory_space<semaphore_mem>>
      %dma_start3A_58 = tpu.memref_slice %arg8[%mul3A_2] : memref<16384xi32, #tpu.memory_space<hbm>> -> memref<512xi32, #tpu.memory_space<hbm>>
      %dma_start3A_59 = tpu.memref_slice %arg8[%mul3A_2] : memref<16384xi32, #tpu.memory_space<hbm>> -> memref<512xi32, #tpu.memory_space<hbm>>
      tpu.enqueue_dma source(%dma_start3A_59 : memref<512xi32, #tpu.memory_space<hbm>>) target(%arg16 : memref<512xi32, #tpu.memory_space<vmem>>) target_semaphore(%run_scoped3A : memref<!tpu.dma_semaphore, #tpu.memory_space<semaphore_mem>>)
      %dma_wait3A_60 = tpu.memref_slice %arg8[%mul3A_2] : memref<16384xi32, #tpu.memory_space<hbm>> -> memref<512xi32, #tpu.memory_space<hbm>>
      %dma_wait3A_61 = tpu.memref_slice %arg8[%mul3A_2] : memref<16384xi32, #tpu.memory_space<hbm>> -> memref<512xi32, #tpu.memory_space<hbm>>
      tpu.wait_dma2 semaphore(%run_scoped3A : memref<!tpu.dma_semaphore, #tpu.memory_space<semaphore_mem>>) src(%dma_wait3A_61 : memref<512xi32, #tpu.memory_space<hbm>>) dst(%arg16 : memref<512xi32, #tpu.memory_space<vmem>>)
      tpu.yield
    }) : () -> ()
    "tpu.region"() ({
      %run_scoped3A = tpu.sem_alloc : memref<!tpu.dma_semaphore, #tpu.memory_space<semaphore_mem>>
      %dma_start3A_58 = tpu.memref_slice %arg9[%mul3A_2] : memref<16384xi32, #tpu.memory_space<hbm>> -> memref<512xi32, #tpu.memory_space<hbm>>
      %dma_start3A_59 = tpu.memref_slice %arg9[%mul3A_2] : memref<16384xi32, #tpu.memory_space<hbm>> -> memref<512xi32, #tpu.memory_space<hbm>>
      tpu.enqueue_dma source(%dma_start3A_59 : memref<512xi32, #tpu.memory_space<hbm>>) target(%arg17 : memref<512xi32, #tpu.memory_space<vmem>>) target_semaphore(%run_scoped3A : memref<!tpu.dma_semaphore, #tpu.memory_space<semaphore_mem>>)
      %dma_wait3A_60 = tpu.memref_slice %arg9[%mul3A_2] : memref<16384xi32, #tpu.memory_space<hbm>> -> memref<512xi32, #tpu.memory_space<hbm>>
      %dma_wait3A_61 = tpu.memref_slice %arg9[%mul3A_2] : memref<16384xi32, #tpu.memory_space<hbm>> -> memref<512xi32, #tpu.memory_space<hbm>>
      tpu.wait_dma2 semaphore(%run_scoped3A : memref<!tpu.dma_semaphore, #tpu.memory_space<semaphore_mem>>) src(%dma_wait3A_61 : memref<512xi32, #tpu.memory_space<hbm>>) dst(%arg17 : memref<512xi32, #tpu.memory_space<vmem>>)
      tpu.yield
    }) : () -> ()
    %mul3A_3 = arith.constant 2 : i32
    %mul3A_4 = arith.muli %mul3A_3, %mul3A_2 : i32
    "tpu.region"() ({
      %run_scoped3A = tpu.sem_alloc : memref<!tpu.dma_semaphore, #tpu.memory_space<semaphore_mem>>
      %dma_start3A_58 = tpu.memref_slice %arg10[%mul3A_4] : memref<32768xi32, #tpu.memory_space<hbm>> -> memref<1024xi32, #tpu.memory_space<hbm>>
      %dma_start3A_59 = tpu.memref_slice %arg10[%mul3A_4] : memref<32768xi32, #tpu.memory_space<hbm>> -> memref<1024xi32, #tpu.memory_space<hbm>>
      tpu.enqueue_dma source(%dma_start3A_59 : memref<1024xi32, #tpu.memory_space<hbm>>) target(%arg22 : memref<1024xi32, #tpu.memory_space<vmem>>) target_semaphore(%run_scoped3A : memref<!tpu.dma_semaphore, #tpu.memory_space<semaphore_mem>>)
      %dma_wait3A_60 = tpu.memref_slice %arg10[%mul3A_4] : memref<32768xi32, #tpu.memory_space<hbm>> -> memref<1024xi32, #tpu.memory_space<hbm>>
      %dma_wait3A_61 = tpu.memref_slice %arg10[%mul3A_4] : memref<32768xi32, #tpu.memory_space<hbm>> -> memref<1024xi32, #tpu.memory_space<hbm>>
      tpu.wait_dma2 semaphore(%run_scoped3A : memref<!tpu.dma_semaphore, #tpu.memory_space<semaphore_mem>>) src(%dma_wait3A_61 : memref<1024xi32, #tpu.memory_space<hbm>>) dst(%arg22 : memref<1024xi32, #tpu.memory_space<vmem>>)
      tpu.yield
    }) : () -> ()
    %mul3A_5 = arith.constant 2 : i32
    %mul3A_6 = arith.muli %mul3A_5, %mul3A_2 : i32
    "tpu.region"() ({
      %run_scoped3A = tpu.sem_alloc : memref<!tpu.dma_semaphore, #tpu.memory_space<semaphore_mem>>
      %dma_start3A_58 = tpu.memref_slice %arg11[%mul3A_6] : memref<32768xi32, #tpu.memory_space<hbm>> -> memref<1024xi32, #tpu.memory_space<hbm>>
      %dma_start3A_59 = tpu.memref_slice %arg11[%mul3A_6] : memref<32768xi32, #tpu.memory_space<hbm>> -> memref<1024xi32, #tpu.memory_space<hbm>>
      tpu.enqueue_dma source(%dma_start3A_59 : memref<1024xi32, #tpu.memory_space<hbm>>) target(%arg23 : memref<1024xi32, #tpu.memory_space<vmem>>) target_semaphore(%run_scoped3A : memref<!tpu.dma_semaphore, #tpu.memory_space<semaphore_mem>>)
      %dma_wait3A_60 = tpu.memref_slice %arg11[%mul3A_6] : memref<32768xi32, #tpu.memory_space<hbm>> -> memref<1024xi32, #tpu.memory_space<hbm>>
      %dma_wait3A_61 = tpu.memref_slice %arg11[%mul3A_6] : memref<32768xi32, #tpu.memory_space<hbm>> -> memref<1024xi32, #tpu.memory_space<hbm>>
      tpu.wait_dma2 semaphore(%run_scoped3A : memref<!tpu.dma_semaphore, #tpu.memory_space<semaphore_mem>>) src(%dma_wait3A_61 : memref<1024xi32, #tpu.memory_space<hbm>>) dst(%arg23 : memref<1024xi32, #tpu.memory_space<vmem>>)
      tpu.yield
    }) : () -> ()
    %iota3A = tpu.iota {dimensions = array<i32: 0>} : vector<16xi32>
    %scan3A = arith.constant 0 : i32
    %scan3A_7 = arith.constant 0 : i32
    %scan3A_8 = arith.constant 32 : i32
    %scan3A_9 = arith.addi %scan3A_7, %scan3A_8 : i32
    %scan3A_10 = arith.constant 1 : i32
    scf.for %scan3A_58 = %scan3A_7 to %scan3A_9 step %scan3A_10  : i32 {
      %mul3A_59 = arith.constant 32 : i32
      %mul3A_60 = arith.muli %mul3A_59, %scan3A_58 : i32
      %mul3A_61 = arith.constant 2 : i32
      %mul3A_62 = vector.broadcast %mul3A_61 : i32 to vector<16xi32>
      %mul3A_63 = arith.muli %mul3A_62, %iota3A : vector<16xi32>
      %add3A_64 = vector.broadcast %mul3A_60 : i32 to vector<16xi32>
      %add3A_65 = arith.addi %add3A_64, %mul3A_63 : vector<16xi32>
      %mul3A_66 = arith.constant 16 : i32
      %mul3A_67 = arith.muli %scan3A_58, %mul3A_66 : i32
      %get3A = arith.index_cast %mul3A_67 : i32 to index
      %get3A_68 = tpu.vector_load %arg14[%get3A] {strides = array<i32>} : memref<512xi32, #tpu.memory_space<vmem>>, vector<16xi32>,
      %mul3A_69 = arith.constant 2 : i32
      %mul3A_70 = vector.broadcast %mul3A_69 : i32 to vector<16xi32>
      %mul3A_71 = arith.muli %mul3A_70, %get3A_68 : vector<16xi32>
      tpu.vector_store_idx %arg18[%add3A_65], %mul3A_71 : memref<1024xi32, #tpu.memory_space<vmem>>[vector<16xi32>], vector<16xi32>,
      %add3A_72 = arith.constant 1 : i32
      %add3A_73 = vector.broadcast %add3A_72 : i32 to vector<16xi32>
      %add3A_74 = arith.addi %add3A_65, %add3A_73 : vector<16xi32>
      %add3A_75 = arith.constant 1 : i32
      %add3A_76 = vector.broadcast %add3A_75 : i32 to vector<16xi32>
      %add3A_77 = arith.addi %mul3A_71, %add3A_76 : vector<16xi32>
      tpu.vector_store_idx %arg18[%add3A_74], %add3A_77 : memref<1024xi32, #tpu.memory_space<vmem>>[vector<16xi32>], vector<16xi32>,
      %mul3A_78 = arith.constant 16 : i32
      %mul3A_79 = arith.muli %scan3A_58, %mul3A_78 : i32
      %get3A_80 = arith.index_cast %mul3A_79 : i32 to index
      %get3A_81 = tpu.vector_load %arg15[%get3A_80] {strides = array<i32>} : memref<512xi32, #tpu.memory_space<vmem>>, vector<16xi32>,
      %mul3A_82 = arith.constant 2 : i32
      %mul3A_83 = vector.broadcast %mul3A_82 : i32 to vector<16xi32>
      %mul3A_84 = arith.muli %mul3A_83, %get3A_81 : vector<16xi32>
      tpu.vector_store_idx %arg19[%add3A_65], %mul3A_84 : memref<1024xi32, #tpu.memory_space<vmem>>[vector<16xi32>], vector<16xi32>,
      %add3A_85 = arith.constant 1 : i32
      %add3A_86 = vector.broadcast %add3A_85 : i32 to vector<16xi32>
      %add3A_87 = arith.addi %add3A_65, %add3A_86 : vector<16xi32>
      %add3A_88 = arith.constant 1 : i32
      %add3A_89 = vector.broadcast %add3A_88 : i32 to vector<16xi32>
      %add3A_90 = arith.addi %mul3A_84, %add3A_89 : vector<16xi32>
      tpu.vector_store_idx %arg19[%add3A_87], %add3A_90 : memref<1024xi32, #tpu.memory_space<vmem>>[vector<16xi32>], vector<16xi32>,
      %mul3A_91 = arith.constant 16 : i32
      %mul3A_92 = arith.muli %scan3A_58, %mul3A_91 : i32
      %get3A_93 = arith.index_cast %mul3A_92 : i32 to index
      %get3A_94 = tpu.vector_load %arg16[%get3A_93] {strides = array<i32>} : memref<512xi32, #tpu.memory_space<vmem>>, vector<16xi32>,
      %mul3A_95 = arith.constant 2 : i32
      %mul3A_96 = vector.broadcast %mul3A_95 : i32 to vector<16xi32>
      %mul3A_97 = arith.muli %mul3A_96, %get3A_94 : vector<16xi32>
      tpu.vector_store_idx %arg20[%add3A_65], %mul3A_97 : memref<1024xi32, #tpu.memory_space<vmem>>[vector<16xi32>], vector<16xi32>,
      %add3A_98 = arith.constant 1 : i32
      %add3A_99 = vector.broadcast %add3A_98 : i32 to vector<16xi32>
      %add3A_100 = arith.addi %add3A_65, %add3A_99 : vector<16xi32>
      %add3A_101 = arith.constant 1 : i32
      %add3A_102 = vector.broadcast %add3A_101 : i32 to vector<16xi32>
      %add3A_103 = arith.addi %mul3A_97, %add3A_102 : vector<16xi32>
      tpu.vector_store_idx %arg20[%add3A_100], %add3A_103 : memref<1024xi32, #tpu.memory_space<vmem>>[vector<16xi32>], vector<16xi32>,
      %mul3A_104 = arith.constant 16 : i32
      %mul3A_105 = arith.muli %scan3A_58, %mul3A_104 : i32
      %get3A_106 = arith.index_cast %mul3A_105 : i32 to index
      %get3A_107 = tpu.vector_load %arg17[%get3A_106] {strides = array<i32>} : memref<512xi32, #tpu.memory_space<vmem>>, vector<16xi32>,
      %mul3A_108 = arith.constant 2 : i32
      %mul3A_109 = vector.broadcast %mul3A_108 : i32 to vector<16xi32>
      %mul3A_110 = arith.muli %mul3A_109, %get3A_107 : vector<16xi32>
      tpu.vector_store_idx %arg21[%add3A_65], %mul3A_110 : memref<1024xi32, #tpu.memory_space<vmem>>[vector<16xi32>], vector<16xi32>,
      %add3A_111 = arith.constant 1 : i32
      %add3A_112 = vector.broadcast %add3A_111 : i32 to vector<16xi32>
      %add3A_113 = arith.addi %add3A_65, %add3A_112 : vector<16xi32>
      %add3A_114 = arith.constant 1 : i32
      %add3A_115 = vector.broadcast %add3A_114 : i32 to vector<16xi32>
      %add3A_116 = arith.addi %mul3A_110, %add3A_115 : vector<16xi32>
      tpu.vector_store_idx %arg21[%add3A_113], %add3A_116 : memref<1024xi32, #tpu.memory_space<vmem>>[vector<16xi32>], vector<16xi32>,
    }
    %scan3A_11 = arith.constant 32 : i32
    %dma_start3A = arith.constant 0 : i32
    %dma_start3A_12 = arith.constant 0 : i32
    %dma_start3A_13 = tpu.memref_slice %arg2[%dma_start3A, %dma_start3A_12] : memref<2000000x16xf32, #tpu.memory_space<hbm>> -> memref<2000000x16xf32, #tpu.memory_space<hbm>>
    tpu.enqueue_indirect_dma source(%dma_start3A_13 : memref<2000000x16xf32, #tpu.memory_space<hbm>>) target(%arg24 : memref<1024x16xf32, #tpu.memory_space<vmem>>) offsets(%arg18 : memref<1024xi32, #tpu.memory_space<vmem>>) semaphore(%arg28 : memref<!tpu.dma_semaphore, #tpu.memory_space<semaphore_mem>>)
    %dma_start3A_14 = arith.constant 0 : i32
    %dma_start3A_15 = arith.constant 0 : i32
    %dma_start3A_16 = tpu.memref_slice %arg3[%dma_start3A_14, %dma_start3A_15] : memref<2000000x16xf32, #tpu.memory_space<hbm>> -> memref<2000000x16xf32, #tpu.memory_space<hbm>>
    tpu.enqueue_indirect_dma source(%dma_start3A_16 : memref<2000000x16xf32, #tpu.memory_space<hbm>>) target(%arg25 : memref<1024x16xf32, #tpu.memory_space<vmem>>) offsets(%arg19 : memref<1024xi32, #tpu.memory_space<vmem>>) semaphore(%arg28 : memref<!tpu.dma_semaphore, #tpu.memory_space<semaphore_mem>>)
    %dma_start3A_17 = arith.constant 0 : i32
    %dma_start3A_18 = arith.constant 0 : i32
    %dma_start3A_19 = tpu.memref_slice %arg4[%dma_start3A_17, %dma_start3A_18] : memref<200000x16xf32, #tpu.memory_space<hbm>> -> memref<200000x16xf32, #tpu.memory_space<hbm>>
    tpu.enqueue_indirect_dma source(%dma_start3A_19 : memref<200000x16xf32, #tpu.memory_space<hbm>>) target(%arg26 : memref<1024x16xf32, #tpu.memory_space<vmem>>) offsets(%arg20 : memref<1024xi32, #tpu.memory_space<vmem>>) semaphore(%arg28 : memref<!tpu.dma_semaphore, #tpu.memory_space<semaphore_mem>>)
    %dma_start3A_20 = arith.constant 0 : i32
    %dma_start3A_21 = arith.constant 0 : i32
    %dma_start3A_22 = tpu.memref_slice %arg5[%dma_start3A_20, %dma_start3A_21] : memref<200000x16xf32, #tpu.memory_space<hbm>> -> memref<200000x16xf32, #tpu.memory_space<hbm>>
    tpu.enqueue_indirect_dma source(%dma_start3A_22 : memref<200000x16xf32, #tpu.memory_space<hbm>>) target(%arg27 : memref<1024x16xf32, #tpu.memory_space<vmem>>) offsets(%arg21 : memref<1024xi32, #tpu.memory_space<vmem>>) semaphore(%arg28 : memref<!tpu.dma_semaphore, #tpu.memory_space<semaphore_mem>>)
    %dma_wait3A = arith.constant 0 : i32
    %dma_wait3A_23 = arith.constant 0 : i32
    %dma_wait3A_24 = tpu.memref_slice %arg2[%dma_wait3A, %dma_wait3A_23] : memref<2000000x16xf32, #tpu.memory_space<hbm>> -> memref<2000000x16xf32, #tpu.memory_space<hbm>>
    tpu.wait_indirect_dma semaphore(%arg28 : memref<!tpu.dma_semaphore, #tpu.memory_space<semaphore_mem>>) src(%dma_wait3A_24 : memref<2000000x16xf32, #tpu.memory_space<hbm>>) dst(%arg24 : memref<1024x16xf32, #tpu.memory_space<vmem>>)
    %dma_start3A_25 = arith.constant 0 : i32
    %dma_start3A_26 = arith.constant 0 : i32
    %dma_start3A_27 = tpu.memref_slice %arg12[%dma_start3A_25, %dma_start3A_26] : memref<65536x16xf32, #tpu.memory_space<hbm>> -> memref<65536x16xf32, #tpu.memory_space<hbm>>
    tpu.enqueue_indirect_dma source(%arg24 : memref<1024x16xf32, #tpu.memory_space<vmem>>) target(%dma_start3A_27 : memref<65536x16xf32, #tpu.memory_space<hbm>>) offsets(%arg22 : memref<1024xi32, #tpu.memory_space<vmem>>) semaphore(%arg29 : memref<!tpu.dma_semaphore, #tpu.memory_space<semaphore_mem>>)
    %dma_wait3A_28 = arith.constant 0 : i32
    %dma_wait3A_29 = arith.constant 0 : i32
    %dma_wait3A_30 = tpu.memref_slice %arg3[%dma_wait3A_28, %dma_wait3A_29] : memref<2000000x16xf32, #tpu.memory_space<hbm>> -> memref<2000000x16xf32, #tpu.memory_space<hbm>>
    tpu.wait_indirect_dma semaphore(%arg28 : memref<!tpu.dma_semaphore, #tpu.memory_space<semaphore_mem>>) src(%dma_wait3A_30 : memref<2000000x16xf32, #tpu.memory_space<hbm>>) dst(%arg25 : memref<1024x16xf32, #tpu.memory_space<vmem>>)
    %dma_start3A_31 = arith.constant 0 : i32
    %dma_start3A_32 = arith.constant 0 : i32
    %dma_start3A_33 = tpu.memref_slice %arg12[%dma_start3A_31, %dma_start3A_32] : memref<65536x16xf32, #tpu.memory_space<hbm>> -> memref<65536x16xf32, #tpu.memory_space<hbm>>
    tpu.enqueue_indirect_dma source(%arg25 : memref<1024x16xf32, #tpu.memory_space<vmem>>) target(%dma_start3A_33 : memref<65536x16xf32, #tpu.memory_space<hbm>>) offsets(%arg23 : memref<1024xi32, #tpu.memory_space<vmem>>) semaphore(%arg29 : memref<!tpu.dma_semaphore, #tpu.memory_space<semaphore_mem>>)
    %dma_wait3A_34 = arith.constant 0 : i32
    %dma_wait3A_35 = arith.constant 0 : i32
    %dma_wait3A_36 = tpu.memref_slice %arg4[%dma_wait3A_34, %dma_wait3A_35] : memref<200000x16xf32, #tpu.memory_space<hbm>> -> memref<200000x16xf32, #tpu.memory_space<hbm>>
    tpu.wait_indirect_dma semaphore(%arg28 : memref<!tpu.dma_semaphore, #tpu.memory_space<semaphore_mem>>) src(%dma_wait3A_36 : memref<200000x16xf32, #tpu.memory_space<hbm>>) dst(%arg26 : memref<1024x16xf32, #tpu.memory_space<vmem>>)
    %dma_start3A_37 = arith.constant 0 : i32
    %dma_start3A_38 = arith.constant 0 : i32
    %dma_start3A_39 = tpu.memref_slice %arg13[%dma_start3A_37, %dma_start3A_38] : memref<65536x16xf32, #tpu.memory_space<hbm>> -> memref<65536x16xf32, #tpu.memory_space<hbm>>
    tpu.enqueue_indirect_dma source(%arg26 : memref<1024x16xf32, #tpu.memory_space<vmem>>) target(%dma_start3A_39 : memref<65536x16xf32, #tpu.memory_space<hbm>>) offsets(%arg22 : memref<1024xi32, #tpu.memory_space<vmem>>) semaphore(%arg29 : memref<!tpu.dma_semaphore, #tpu.memory_space<semaphore_mem>>)
    %dma_wait3A_40 = arith.constant 0 : i32
    %dma_wait3A_41 = arith.constant 0 : i32
    %dma_wait3A_42 = tpu.memref_slice %arg5[%dma_wait3A_40, %dma_wait3A_41] : memref<200000x16xf32, #tpu.memory_space<hbm>> -> memref<200000x16xf32, #tpu.memory_space<hbm>>
    tpu.wait_indirect_dma semaphore(%arg28 : memref<!tpu.dma_semaphore, #tpu.memory_space<semaphore_mem>>) src(%dma_wait3A_42 : memref<200000x16xf32, #tpu.memory_space<hbm>>) dst(%arg27 : memref<1024x16xf32, #tpu.memory_space<vmem>>)
    %dma_start3A_43 = arith.constant 0 : i32
    %dma_start3A_44 = arith.constant 0 : i32
    %dma_start3A_45 = tpu.memref_slice %arg13[%dma_start3A_43, %dma_start3A_44] : memref<65536x16xf32, #tpu.memory_space<hbm>> -> memref<65536x16xf32, #tpu.memory_space<hbm>>
    tpu.enqueue_indirect_dma source(%arg27 : memref<1024x16xf32, #tpu.memory_space<vmem>>) target(%dma_start3A_45 : memref<65536x16xf32, #tpu.memory_space<hbm>>) offsets(%arg23 : memref<1024xi32, #tpu.memory_space<vmem>>) semaphore(%arg29 : memref<!tpu.dma_semaphore, #tpu.memory_space<semaphore_mem>>)
    %dma_wait3A_46 = arith.constant 0 : i32
    %dma_wait3A_47 = arith.constant 0 : i32
    %dma_wait3A_48 = tpu.memref_slice %arg12[%dma_wait3A_46, %dma_wait3A_47] : memref<65536x16xf32, #tpu.memory_space<hbm>> -> memref<65536x16xf32, #tpu.memory_space<hbm>>
    tpu.wait_indirect_dma semaphore(%arg29 : memref<!tpu.dma_semaphore, #tpu.memory_space<semaphore_mem>>) src(%arg24 : memref<1024x16xf32, #tpu.memory_space<vmem>>) dst(%dma_wait3A_48 : memref<65536x16xf32, #tpu.memory_space<hbm>>)
    %dma_wait3A_49 = arith.constant 0 : i32
    %dma_wait3A_50 = arith.constant 0 : i32
    %dma_wait3A_51 = tpu.memref_slice %arg12[%dma_wait3A_49, %dma_wait3A_50] : memref<65536x16xf32, #tpu.memory_space<hbm>> -> memref<65536x16xf32, #tpu.memory_space<hbm>>
    tpu.wait_indirect_dma semaphore(%arg29 : memref<!tpu.dma_semaphore, #tpu.memory_space<semaphore_mem>>) src(%arg25 : memref<1024x16xf32, #tpu.memory_space<vmem>>) dst(%dma_wait3A_51 : memref<65536x16xf32, #tpu.memory_space<hbm>>)
    %dma_wait3A_52 = arith.constant 0 : i32
    %dma_wait3A_53 = arith.constant 0 : i32
    %dma_wait3A_54 = tpu.memref_slice %arg13[%dma_wait3A_52, %dma_wait3A_53] : memref<65536x16xf32, #tpu.memory_space<hbm>> -> memref<65536x16xf32, #tpu.memory_space<hbm>>
    tpu.wait_indirect_dma semaphore(%arg29 : memref<!tpu.dma_semaphore, #tpu.memory_space<semaphore_mem>>) src(%arg26 : memref<1024x16xf32, #tpu.memory_space<vmem>>) dst(%dma_wait3A_54 : memref<65536x16xf32, #tpu.memory_space<hbm>>)
    %dma_wait3A_55 = arith.constant 0 : i32
    %dma_wait3A_56 = arith.constant 0 : i32
    %dma_wait3A_57 = tpu.memref_slice %arg13[%dma_wait3A_55, %dma_wait3A_56] : memref<65536x16xf32, #tpu.memory_space<hbm>> -> memref<65536x16xf32, #tpu.memory_space<hbm>>
    tpu.wait_indirect_dma semaphore(%arg29 : memref<!tpu.dma_semaphore, #tpu.memory_space<semaphore_mem>>) src(%arg27 : memref<1024x16xf32, #tpu.memory_space<vmem>>) dst(%dma_wait3A_57 : memref<65536x16xf32, #tpu.memory_space<hbm>>)
    return
  }
}

</mosaic_0001>

<sc_bundles>
// kernel: kernel.3.cloned.1.call-start
scs
__scs_entry_jumppad:
0x0: {  	(pc) =	sbr.rel $0x88, $3  }
0x1: {  	(tag) =	ssettag $0x0;
	lr =	simm.s32 $0x1  }
0x2: {  	[smem:$0x3F99] =	sst lr;
	_ =	strace $0xD0000000  }
0x3: {  	_ = 	snop  }
0x4: {  	_ = 	snop  }
0x5: {  	_ = 	snop  }
0x6: {  	_ = 	snop  }
0x7: {  	_ = 	snop  }
__scs_overlays_trampoline_lowered:
0x8: {  	[smem:$0x3FA8] =	sst s0  }
0x9: {  	[smem:$0x3FA9] =	sst s1  }
0xa: {  	[smem:$0x3FAA] =	sst s2  }
0xb: {  	[smem:$0x3FAB] =	sst s3  }
0xc: {  	[smem:$0x3FAC] =	sst s4  }
0xd: {  	[smem:$0x3FAD] =	sst s5  }
0xe: {  	[smem:$0x3FAE] =	sst s6  }
0xf: {  	[smem:$0x3FAF] =	sst s7  }
0x10: {  	[smem:$0x3FB0] =	sst s8  }
0x11: {  	[smem:$0x3FB1] =	sst s9;
	s0 =	simm.s32 @!p0 $0x0  }
0x12: {  	s1 =	sld [smem:$0x3F97];
	s0 =	simm.s32 @p0 $0x1  }
0x13: {  	[smem:$0x3FB2] =	sst s0;
	s0 =	simm.s32 @!p1 $0x0  }
0x14: {  	s2 =	sld [smem:$0x3F96];
	s0 =	simm.s32 @p1 $0x1  }
0x15: {  	[smem:$0x3FB3] =	sst s0;
	s0 =	simm.s32 @!p2 $0x0  }
0x16: {  	s3 =	sld [smem:$0x3FDB];
	s0 =	simm.s32 @p2 $0x1  }
0x17: {  	s4 =	simm.s32 $0x1BF5;
	[smem:$0x3FB5] =	sst s0  }
0x18: {  	s0 =	sld [smem:$0x3F98];
	_ =	swait.ge [sflag:s4], $0x0  }
0x19: {  	s7 =	sld [smem:$0x3F99]  }
0x1a: {  	s8 =	sadd.s32 $0xFFFFE003, lr  }
0x1b: {  	s9 =	sadd.s32 $0xFFFFFEF7, lr;
	s5 =	simm.s32 $0xFFFFFFFF;
	p2 =	slt.u32 s8, $0xFFFFF086  }
0x1c: {  	p1 =	slt.u32 s9, $0xF7A;
	s5 =	simm.s32 @!p2 $0x0  }
0x1d: {  	s5 =	simm.s32 @p1 $0x1;
	p0 =	seq.s32 s7, s2  }
0x1e: {  	s7 =	smul.u32 @!p0 $0xF7A, s2;
	p2 =	seq.s32 @!p0 s5, $0x0  }
0x1f: {  	s9 =	smul.u32 $0xF7A, s1;
	s8 =	simm.s32 @!p0 $0x1BF5;
	p2 =	por !p2, p0  }
0x20: {  	[sflag:s8] =	ssyncset.s32 @!p0 $0xFFFFF086;
	s6 =	sadd.s32 @!p0 s3, s7;
	s7 =	simm.s32 @!p0 $0x108  }
0x21: {  	s3 =	sadd.s32 s3, s9;
	s6 =	sadd.s32 @!p0 $0x88, s6;
	s7 =	simm.s32 @p2 $0x1082  }
0x22: {  	[simem:s7], [sflag:s8] =	dma.local @!p0 [hbm:s6], $0xF7A  }
0x23: {  	s9 =	sor.u32 $0xD0000000, s2;
	s6 =	simm.s32 $0x108;
	_ =	swait.ge @!p0 [sflag:s8], $0x0  }
0x24: {  	s3 =	sadd.s32 $0x88, s3;
	s6 =	simm.s32 @!p1 $0x1082;
	[sflag:s4] =	ssyncset.s32 $0xFFFFF086  }
0x25: {  	[simem:s6], [sflag:s4] =	dma.local [hbm:s3], $0xF7A  }
0x26: {  	[smem:$0x3F99] =	sst s1;
	(tag) =	ssettag s2;
	_ =	strace s9  }
0x27: {  	s1 =	sld [smem:$0x3FA9]  }
0x28: {  	s2 =	sld [smem:$0x3FAA]  }
0x29: {  	s4 =	sld [smem:$0x3FAC]  }
0x2a: {  	p0 =	seq.s32 s5, $0x0;
	s5 =	sld [smem:$0x3FAD]  }
0x2b: {  	s6 =	sld [smem:$0x3FAE]  }
0x2c: {  	s7 =	sld [smem:$0x3FAF]  }
0x2d: {  	s3 =	simm.s32 $0x108;
	s8 =	sld [smem:$0x3FB0]  }
0x2e: {  	s3 =	simm.s32 @!p0 $0x1082;
	s9 =	sld [smem:$0x3FB1]  }
0x2f: {  	lr =	sadd.s32 s0, s3;
	s0 =	sld [smem:$0x3FA8]  }
0x30: {  	s3 =	sld [smem:$0x3FAB]  }
0x31: {  	[smem:$0x3FB4] =	sst s10  }
0x32: {  	s10 =	sld [smem:$0x3FB2];
	_ =	sdelay $0x3  }
0x33: {  	p0 =	seq.s32 s10, $0x1;
	s10 =	sld [smem:$0x3FB4];
	_ =	sdelay $0x3  }
0x34: {  	[smem:$0x3FB4] =	sst s10  }
0x35: {  	s10 =	sld [smem:$0x3FB3];
	_ =	sdelay $0x3  }
0x36: {  	p1 =	seq.s32 s10, $0x1;
	s10 =	sld [smem:$0x3FB4];
	_ =	sdelay $0x3  }
0x37: {  	[smem:$0x3FB4] =	sst s10  }
0x38: {  	s10 =	sld [smem:$0x3FB5]  }
0x39: {  	_ = 	snop;
	(pc) =	sbr.ind lr, $3  }
0x3a: {  	_ = 	snop  }
0x3b: {  	_ = 	snop  }
0x3c: {  	p2 =	seq.s32 s10, $0x1;
	s10 =	sld [smem:$0x3FB4]  }
0x3d: {  	_ =	shalt  }
0x3e: {  	_ =	shalt  }
0x3f: {  	_ =	shalt  }
0x40: {  	_ =	shalt  }
0x41: {  	_ =	shalt  }
0x42: {  	_ =	shalt  }
0x43: {  	_ =	shalt  }
0x44: {  	_ =	shalt  }
0x45: {  	_ =	shalt  }
0x46: {  	_ =	shalt  }
0x47: {  	_ =	shalt  }
0x48: {  	_ =	shalt  }
0x49: {  	_ =	shalt  }
0x4a: {  	_ =	shalt  }
0x4b: {  	_ =	shalt  }
0x4c: {  	_ =	shalt  }
0x4d: {  	_ =	shalt  }
0x4e: {  	_ =	shalt  }
0x4f: {  	_ =	shalt  }
0x50: {  	_ =	shalt  }
0x51: {  	_ =	shalt  }
0x52: {  	_ =	shalt  }
0x53: {  	_ =	shalt  }
0x54: {  	_ =	shalt  }
0x55: {  	_ =	shalt  }
0x56: {  	_ =	shalt  }
0x57: {  	_ =	shalt  }
0x58: {  	_ =	shalt  }
0x59: {  	_ =	shalt  }
0x5a: {  	_ =	shalt  }
0x5b: {  	_ =	shalt  }
0x5c: {  	_ =	shalt  }
0x5d: {  	_ =	shalt  }
0x5e: {  	_ =	shalt  }
0x5f: {  	_ =	shalt  }
0x60: {  	_ =	shalt  }
0x61: {  	_ =	shalt  }
0x62: {  	_ =	shalt  }
0x63: {  	_ =	shalt  }
0x64: {  	_ =	shalt  }
0x65: {  	_ =	shalt  }
0x66: {  	_ =	shalt  }
0x67: {  	_ =	shalt  }
0x68: {  	_ =	shalt  }
0x69: {  	_ =	shalt  }
0x6a: {  	_ =	shalt  }
0x6b: {  	_ =	shalt  }
0x6c: {  	_ =	shalt  }
0x6d: {  	_ =	shalt  }
0x6e: {  	_ =	shalt  }
0x6f: {  	_ =	shalt  }
0x70: {  	_ =	shalt  }
0x71: {  	_ =	shalt  }
0x72: {  	_ =	shalt  }
0x73: {  	_ =	shalt  }
0x74: {  	_ =	shalt  }
0x75: {  	_ =	shalt  }
0x76: {  	_ =	shalt  }
0x77: {  	_ =	shalt  }
0x78: {  	_ =	shalt  }
0x79: {  	_ =	shalt  }
0x7a: {  	_ =	shalt  }
0x7b: {  	_ =	shalt  }
0x7c: {  	_ =	shalt  }
0x7d: {  	_ =	shalt  }
0x7e: {  	_ =	shalt  }
0x7f: {  	_ =	shalt  }
0x80: {  	_ =	shalt  }
0x81: {  	_ =	shalt  }
0x82: {  	_ =	shalt  }
0x83: {  	_ =	shalt  }
0x84: {  	_ =	shalt  }
0x85: {  	_ =	shalt  }
0x86: {  	_ =	shalt  }
0x87: {  	_ =	shalt  }
.Lfunc_end0:
.L_simem_size_0:
called_computation_lowered:
.L_overlay_start_0:
0x88: {  	s2 =	sld [smem:$0x3FD9]  }
0x89: {  	s3 =	sld [smem:$0x3FFE];
	_ =	sdelay $0x1  }
0x8a: {  	s1 =	srdreg.scid  }
0x8b: {  	s0 =	sand.u32 $0x1, s1  }
0x8c: {  	s14 =	sshll.u32 s0, $0xA;
	s2 =	sadd.s32 s3, s2  }
0x8d: {  	s2 =	sadd.s32 s2, s14  }
0x8e: {  	[smem:$0x3FC0] =	sst s2  }
0x8f: {  	_ = 	snop  }
0x90: {  	s2 =	sld [smem:$0x3FC5]  }
0x91: {  	s15 =	sld [smem:$0x3FD0]  }
0x92: {  	s4 =	sld [smem:$0x3FC4]  }
0x93: {  	s5 =	sld [smem:$0x3FC3]  }
0x94: {  	s7 =	simm.s32 $0xA;
	s8 =	simm.s32 $0x10;
	s6 =	sld [smem:$0x3FC2]  }
0x95: {  	[smem:s8], [sflag:s7] =	dma.local [hbm:s15], $0x1  }
0x96: {  	_ =	swait.eq [sflag:s7], $0x1  }
0x97: {  	[sflag:s7] =	ssyncset.done $0x0  }
0x98: {  	s16 =	sld [smem:$0x10];
	[sflag:s7] =	ssyncadd.s32 $0xFFFFFFFF  }
0x99: {  	s17 =	sld [smem:$0x11];
	(tm) =	ssettm $0x1  }
0x9a: {  	s18 =	sld [smem:$0x3FFB];
	_ =	sdelay $0x3  }
0x9b: {  	_ =	strace s18  }
0x9c: {  	s8 =	sld [smem:$0x3FFC];
	_ =	sdelay $0x3  }
0x9d: {  	_ =	strace s8  }
0x9e: {  	s8 =	sld [smem:$0x3FFD];
	_ =	sdelay $0x3  }
0x9f: {  	_ =	strace s8  }
0xa0: {  	_ =	strace $0x8FFFFFFF  }
0xa1: {  	s19 =	sld [smem:$0x3FDB];
	_ =	sdelay $0x1  }
0xa2: {  	s9 =	simm.s32 $_scs_section_size  }
0xa3: {  	s10 =	simm.s32 $_size__tile_overlayer_lowered;
	s11 =	simm.s32 $_tile_overlayer_lowered  }
0xa4: {  	s22 =	simm.s32 $0x1BFF;
	s21 =	sshll.u32 s11, $0x1;
	s8 =	sadd.s32 s9, s19  }
0xa5: {  	s12 =	simm.s32 $0x0;
	s20 =	sshll.u32 s10, $0x1;
	s10 =	sadd.s32 s21, s8  }
0xa6: {  	[timem:s12], [sflag:s22] =	dma.local [hbm:s10], s20  }
0xa7: {  	_ =	swait.ge [sflag:s22], s20  }
0xa8: {  	s9 =	ssub.s32 $0x0, s20;
	[sflag:s22] =	ssyncset.done $0x0  }
0xa9: {  	[sflag:s22] =	ssyncadd.s32 s9;
	_ =	sdelay $0x1  }
0xaa: {  	s23 =	simm.s32 $0x1B8B  }
0xab: {  	_ =	swait.ge [sflag:s23], $0x1  }
0xac: {  	[sflag:s23] =	ssyncset.done $0x0  }
0xad: {  	s25 =	simm.s32 $0x1B8E;
	s24 =	sld [smem:$0x3FFE];
	[sflag:s23] =	ssyncadd.s32 $0xFFFFFFFF  }
0xae: {  	s26 =	simm.s32 $execute0_lowered;
	[smem:$0x3FD2] =	sst s25  }
0xaf: {  	s10 =	sshll.u32 s26, $0x1;
	_ =	strace $0x80000046;
	[dreg:$0x1] =	wrdreg $0xFFFFFFFF  }
0xb0: {  	s28 =	simm.s32 $_size_execute0_lowered;
	s8 =	sadd.s32 s8, s10;
	[dreg:$0x0] =	wrdreg $0x0  }
0xb1: {  	s10 =	sshll.u32 s28, $0x1;
	[dreg:$0x2] =	wrdreg s8  }
0xb2: {  	[dreg:$0x3] =	wrdreg s10  }
0xb3: {  	[dreg:$0x4] =	wrdreg $0xC0  }
0xb4: {  	_ =	task [dreg:s12], $0x5FFFF  }
0xb5: {  	[dreg:$0x1] =	wrdreg $0xFFFFFFFF  }
0xb6: {  	[dreg:$0x0] =	wrdreg $0x60  }
0xb7: {  	[dreg:$0x2] =	wrdreg s24  }
0xb8: {  	[dreg:$0x3] =	wrdreg s2  }
0xb9: {  	[dreg:$0x4] =	wrdreg s4  }
0xba: {  	[dreg:$0x5] =	wrdreg s5  }
0xbb: {  	[dreg:$0x6] =	wrdreg s6  }
0xbc: {  	[dreg:$0x7] =	wrdreg s16  }
0xbd: {  	[dreg:$0x8] =	wrdreg s17  }
0xbe: {  	[dreg:$0x9] =	wrdreg $0x9  }
0xbf: {  	_ =	task.clear_ibuf [dreg:s12], $0xAFFFF;
	_ =	strace $0x90000046  }
0xc0: {  	s29 =	simm.s32 $0x9;
	_ =	strace $0x80000048  }
0xc1: {  	_ =	swait.ge [sflag:s29], $0x1  }
0xc2: {  	[sflag:s29] =	ssyncadd.s32 $0xFFFFFFFF  }
0xc3: {  	_ =	strace $0x90000048  }
0xc4: {  	_ =	sfence  }
0xc5: {  	s30 =	sld [smem:$0x0];
	_ =	sdelay $0x2  }
0xc6: {  	s31 =	sshll.u32 s1, $0xD;
	s1 =	sshrl.u32 s1, $0x2  }
0xc7: {  	s3 =	sand.u32 $0x4000, s31;
	s1 =	sadd.s32 s1, s30  }
0xc8: {  	s0 =	sor.u32 s3, s0;
	s1 =	sshll.u32 s1, $0x11  }
0xc9: {  	s0 =	sor.u32 s1, s0  }
0xca: {  	s0 =	sadd.s32 $0x8F2B, s0  }
0xcb: {  	[sflag:s0] =	ssyncadd.remote.s32 $0x1  }
0xcc: {  	_ =	sfence.sel $0xFFFF  }
0xcd: {  	[dreg:$0x0] =	wrdreg $0xFFFFFFFF;
	(pc) =	sbr.abs _section_cstart, $3  }
0xce: {  	[dreg:$0x1] =	wrdreg $0xFFFFFFFF  }
0xcf: {  	_ =	task.clear_ibuf [dreg:s12], $0x2FFFF;
	_ =	strace $0x9FFFFFFF  }
0xd0: {  	(tm) =	ssettm $0x7FFFFFFF  }
0xd1: {  	_ =	shalt  }
tec
execute0_lowered:
.L_overlay_start_1:
0x0: {  	(tag) =	ssettag $0x1  }
0x1: {  	s0 =	rddreg [dreg:$0x0]  }
0x2: {  	s1 =	rddreg [dreg:$0x1]  }
0x3: {  	s2 =	rddreg [dreg:$0x2]  }
0x4: {  	s4 =	rddreg [dreg:$0x3]  }
0x5: {  	s5 =	rddreg [dreg:$0x4]  }
0x6: {  	s13 =	rddreg [dreg:$0x5];
	s3 =	simm.s32 $0x0;
	s6 =	srdreg.scid  }
0x7: {  	s7 =	stileid.u32;
	s16 =	simm.s32 $0x3;
	s17 =	simm.s32 $0x1800  }
0x8: {  	s18 =	simm.s32 $0x1C00;
	s19 =	simm.s32 $0x800;
	s20 =	simm.s32 $0xC00  }
0x9: {  	s21 =	simm.s32 $0x1000;
	s22 =	simm.s32 $0x1400;
	s28 =	simm.s32 $0xE000  }
0xa: {  	s29 =	simm.s32 $0x1;
	s30 =	simm.s32 $0x2;
	s31 =	simm.s32 $0x0  }
0xb: {  	[smem:$0x7FF] =	sst s3;
	s8 =	sadd.s32 $0xF44800, s0;
	s23 =	sand.u32 $0x1, s6  }
0xc: {  	s24 =	sadd.s32 $0x1315200, s0;
	_ =	strace $0x80000047;
	[dreg:$0x8] =	wrdreg s8  }
0xd: {  	s7 =	sshll.u32 s7, $0x1;
	s25 =	sadd.s32 $0x188E00, s0;
	[dreg:$0x9] =	wrdreg s24  }
0xe: {  	[dreg:$0xa] =	wrdreg s25;
	s9 =	sor.u32 s23, s7;
	s7 =	sadd.s32 $0x1EAA00, s0  }
0xf: {  	s10 =	ssub.s32 $0x2, s23;
	s8 =	sadd.s32 $0x3400, s0;
	s23 =	simm.s32 $0x400  }
0x10: {  	v0 =	vlaneseq.u32;
	s24 =	simm.s32 $0x2000;
	s25 =	simm.s32 $0x6000;
	s14 =	sshll.u32 s9, $0x7  }
0x11: {  	v1 =	vand.u32 $0x3, v0;
	s11 =	sshrl.u32 s10, $0x1;
	s12 =	sshll.u32 s9, $0x6;
	s15 =	sadd.s32 s14, s0  }
0x12: {  	v0 =	vmul.u32 $0x2, v0;
	v1 =	vmul.u32 $0x2, v1;
	s26 =	ssub.s32 s10, s11;
	s9 =	sadd.s32 s1, s12;
	s10 =	sadd.s32 s2, s12  }
0x13: {  	s11 =	sadd.s32 s4, s12;
	s12 =	sadd.s32 s5, s12;
	s13 =	sadd.s32 s13, s14  }
0x14: {  	v2 =	vor.u32 $0x1, v0;
	v1 =	vor.u32 $0xFFFFFFF8, v1;
	s14 =	sadd.s32 $0x2400, s15;
	s15 =	smax.u32 s26, $0x1;
	s26 =	simm.s32 $0xA000  }
.LBB2_1:
0x15: {  	[tilespmem:s3], [sflag:$0x3] =	stream.linear.gather [hbm4b:s9+s3], $0x200, $0x38;
	[tilespmem:$0x12000] =	vst v63  }
0x16: {  	_ =	swait.ge [sflag:s16], $0x200  }
0x17: {  	[sflag:s16] =	ssyncset.done $0x0  }
0x18: {  	s0 =	simm.s32 $0x200;
	[sflag:s16] =	ssyncadd.s32 $0xFFFFFE00  }
0x19: {  	[tilespmem:s0], [sflag:$0x3] =	stream.linear.gather [hbm4b:s10+s3], $0x200, $0x38;
	[tilespmem:$0x12000] =	vst v63  }
0x1a: {  	_ =	swait.ge [sflag:s16], $0x200  }
0x1b: {  	[sflag:s16] =	ssyncset.done $0x0  }
0x1c: {  	[sflag:s16] =	ssyncadd.s32 $0xFFFFFE00  }
0x1d: {  	[tilespmem:s23], [sflag:$0x3] =	stream.linear.gather [hbm4b:s11+s3], $0x200, $0x38;
	[tilespmem:$0x12000] =	vst v63  }
0x1e: {  	_ =	swait.ge [sflag:s16], $0x200  }
0x1f: {  	[sflag:s16] =	ssyncset.done $0x0  }
0x20: {  	s1 =	simm.s32 $0x600;
	[sflag:s16] =	ssyncadd.s32 $0xFFFFFE00  }
0x21: {  	[tilespmem:s1], [sflag:$0x3] =	stream.linear.gather [hbm4b:s12+s3], $0x200, $0x38;
	[tilespmem:$0x12000] =	vst v63  }
0x22: {  	_ =	swait.ge [sflag:s16], $0x200  }
0x23: {  	[sflag:s16] =	ssyncset.done $0x0  }
0x24: {  	[sflag:s16] =	ssyncadd.s32 $0xFFFFFE00  }
0x25: {  	[tilespmem:s17], [sflag:$0x3] =	stream.linear.gather [hbm4b:s13+s3], $0x400, $0x38;
	[tilespmem:$0x12000] =	vst v63  }
0x26: {  	_ =	swait.ge [sflag:s16], $0x400  }
0x27: {  	[sflag:s16] =	ssyncset.done $0x0  }
0x28: {  	[sflag:s16] =	ssyncadd.s32 $0xFFFFFC00  }
0x29: {  	[tilespmem:s18], [sflag:$0x3] =	stream.linear.gather [hbm4b:s14+s3], $0x400, $0x38;
	[tilespmem:$0x12000] =	vst v63  }
0x2a: {  	_ =	swait.ge [sflag:s16], $0x400  }
0x2b: {  	[sflag:s16] =	ssyncset.done $0x0  }
0x2c: {  	[sflag:s16] =	ssyncadd.s32 $0xFFFFFC00  }
0x2d: {  	v3 =	vor.u32 s3, v0;
	v4 =	vld [tilespmem:s3+$0x0]  }
0x2e: {  	v5 =	vand.u32 v1, v3  }
0x2f: {  	v3 =	vor.u32 s3, v2;
	_ =	sdelay $0x2  }
0x30: {  	v4 =	vshll.u32 v4, $0x1  }
0x31: {  	[tilespmem:v5+s19+$0x0] =	vst.idx.msk $0xffff, v4;
	v4 =	vor.u32 $0x1, v4  }
0x32: {  	[tilespmem:v3+s19+$0x0] =	vst.idx.msk $0xffff, v4  }
0x33: {  	v4 =	vld [tilespmem:s0+$0x0];
	_ =	sdelay $0x4  }
0x34: {  	v4 =	vshll.u32 v4, $0x1  }
0x35: {  	[tilespmem:v5+s20+$0x0] =	vst.idx.msk $0xffff, v4;
	v4 =	vor.u32 $0x1, v4  }
0x36: {  	[tilespmem:v3+s20+$0x0] =	vst.idx.msk $0xffff, v4  }
0x37: {  	v4 =	vld [tilespmem:s23+$0x0];
	_ =	sdelay $0x4  }
0x38: {  	v4 =	vshll.u32 v4, $0x1  }
0x39: {  	[tilespmem:v5+s21+$0x0] =	vst.idx.msk $0xffff, v4;
	v4 =	vor.u32 $0x1, v4  }
0x3a: {  	[tilespmem:v3+s21+$0x0] =	vst.idx.msk $0xffff, v4  }
0x3b: {  	v4 =	vld [tilespmem:s1+$0x0];
	_ =	sdelay $0x4  }
0x3c: {  	s2 =	simm.s32 $0x20;
	v4 =	vshll.u32 v4, $0x1  }
0x3d: {  	s4 =	simm.s32 $0x0;
	s5 =	simm.s32 $0x400;
	s1 =	simm.s32 $0x610;
	[tilespmem:v5+s22+$0x0] =	vst.idx.msk $0xffff, v4;
	v4 =	vor.u32 $0x1, v4  }
.LBB2_2:
0x3e: {  	[tilespmem:v3+s22+$0x0] =	vst.idx.msk $0xffff, v4;
	s4 =	sadd.s32 $0x10, s4;
	s0 =	sadd.s32 $0x10, s0;
	s5 =	sadd.s32 $0x10, s5  }
0x3f: {  	v3 =	vor.u32 s2, v0;
	p0 =	sne.s32 s2, $0x3E0;
	s6 =	smov.u32 s2;
	s2 =	sadd.s32 $0x20, s2;
	v4 =	vld [tilespmem:s4+$0x0]  }
0x40: {  	v5 =	vand.u32 v1, v3  }
0x41: {  	v3 =	vor.u32 s6, v2;
	_ =	sdelay $0x2  }
0x42: {  	v4 =	vshll.u32 v4, $0x1  }
0x43: {  	[tilespmem:v5+s19+$0x0] =	vst.idx.msk $0xffff, v4;
	v4 =	vor.u32 $0x1, v4  }
0x44: {  	[tilespmem:v3+s19+$0x0] =	vst.idx.msk $0xffff, v4  }
0x45: {  	v4 =	vld [tilespmem:s0+$0x0];
	_ =	sdelay $0x4  }
0x46: {  	v4 =	vshll.u32 v4, $0x1  }
0x47: {  	[tilespmem:v5+s20+$0x0] =	vst.idx.msk $0xffff, v4;
	v4 =	vor.u32 $0x1, v4  }
0x48: {  	[tilespmem:v3+s20+$0x0] =	vst.idx.msk $0xffff, v4  }
0x49: {  	v4 =	vld [tilespmem:s5+$0x0];
	_ =	sdelay $0x4  }
0x4a: {  	v4 =	vshll.u32 v4, $0x1  }
0x4b: {  	[tilespmem:v5+s21+$0x0] =	vst.idx.msk $0xffff, v4;
	v4 =	vor.u32 $0x1, v4  }
0x4c: {  	[tilespmem:v3+s21+$0x0] =	vst.idx.msk $0xffff, v4  }
0x4d: {  	v4 =	vld [tilespmem:s1+$0x0];
	_ =	sdelay $0x1  }
.Ltmp0:
0x4e: {  	(pc) =	sbr.rel @p0 .LBB2_2-.Ltmp0, $3  }
0x4f: {  	_ =	sdelay $0x1  }
0x50: {  	v4 =	vshll.u32 v4, $0x1  }
0x51: {  	s1 =	sadd.s32 $0x10, s1;
	[tilespmem:v5+s22+$0x0] =	vst.idx.msk $0xffff, v4;
	v4 =	vor.u32 $0x1, v4  }
0x52: {  	_ =	sdelay $0x3  }
0x53: {  	[tilespmem:v3+s22+$0x0] =	vst.idx.msk $0xffff, v4;
	s0 =	rddreg [dreg:$0x8]  }
0x54: {  	[tilespmem:s24], [sflag:$0x1] =	stream.indirect.gather [hbm4b:s0+s23], $0x10, s19, s23, $0xb8;
	[tilespmem:$0x12000] =	vst v63  }
0x55: {  	s4 =	rddreg [dreg:$0x9]  }
0x56: {  	[tilespmem:s25], [sflag:$0x1] =	stream.indirect.gather [hbm4b:s4+s23], $0x10, s20, s23, $0xb8;
	[tilespmem:$0x12000] =	vst v63  }
0x57: {  	s5 =	rddreg [dreg:$0xa]  }
0x58: {  	[tilespmem:s26], [sflag:$0x1] =	stream.indirect.gather [hbm4b:s5+s23], $0x10, s21, s23, $0xb8;
	[tilespmem:$0x12000] =	vst v63  }
0x59: {  	_ = 	snop  }
0x5a: {  	[tilespmem:s28], [sflag:$0x1] =	stream.indirect.gather [hbm4b:s7+s23], $0x10, s22, s23, $0xb8;
	[tilespmem:$0x12000] =	vst v63  }
0x5b: {  	_ =	swait.ge [sflag:s29], $0x4000  }
0x5c: {  	[sflag:s29] =	ssyncset.done $0x0  }
0x5d: {  	[sflag:s29] =	ssyncadd.s32 $0xFFFFC000  }
0x5e: {  	s6 =	rddreg [dreg:$0x6]  }
0x5f: {  	[hbm4b:s6+s23] =	stream.indirect.scatter [tilespmem:s24], [sflag:$0x2], $0x10, s17, s23, $0xb8;
	[tilespmem:$0x12000] =	vst v63  }
0x60: {  	_ =	swait.ge [sflag:s29], $0x4000  }
0x61: {  	[sflag:s29] =	ssyncset.done $0x0  }
0x62: {  	[sflag:s29] =	ssyncadd.s32 $0xFFFFC000  }
0x63: {  	[hbm4b:s6+s23] =	stream.indirect.scatter [tilespmem:s25], [sflag:$0x2], $0x10, s18, s23, $0xb8;
	[tilespmem:$0x12000] =	vst v63  }
0x64: {  	_ =	swait.ge [sflag:s29], $0x4000  }
0x65: {  	[sflag:s29] =	ssyncset.done $0x0  }
0x66: {  	[sflag:s29] =	ssyncadd.s32 $0xFFFFC000  }
0x67: {  	[hbm4b:s8+s23] =	stream.indirect.scatter [tilespmem:s26], [sflag:$0x2], $0x10, s17, s23, $0xb8;
	[tilespmem:$0x12000] =	vst v63  }
0x68: {  	_ =	swait.ge [sflag:s29], $0x4000  }
0x69: {  	[sflag:s29] =	ssyncset.done $0x0  }
0x6a: {  	[sflag:s29] =	ssyncadd.s32 $0xFFFFC000  }
0x6b: {  	[hbm4b:s8+s23] =	stream.indirect.scatter [tilespmem:s28], [sflag:$0x2], $0x10, s18, s23, $0xb8;
	[tilespmem:$0x12000] =	vst v63  }
0x6c: {  	_ =	swait.ge [sflag:s30], $0x4000  }
0x6d: {  	[sflag:s30] =	ssyncset.done $0x0  }
0x6e: {  	[sflag:s30] =	ssyncadd.s32 $0xFFFFC000  }
0x6f: {  	_ =	swait.ge [sflag:s30], $0x4000  }
0x70: {  	[sflag:s30] =	ssyncset.done $0x0  }
0x71: {  	s31 =	sadd.s32 $0x1, s31;
	[sflag:s30] =	ssyncadd.s32 $0xFFFFC000  }
0x72: {  	p0 =	sne.s32 s31, s15;
	_ =	swait.ge [sflag:s30], $0x4000  }
.Ltmp1:
0x73: {  	[sflag:s30] =	ssyncset.done $0x0;
	(pc) =	sbr.rel @p0 .LBB2_1-.Ltmp1, $4  }
0x74: {  	[sflag:s30] =	ssyncadd.s32 $0xFFFFC000  }
0x75: {  	_ =	swait.ge [sflag:s30], $0x4000  }
0x76: {  	[sflag:s30] =	ssyncset.done $0x0  }
0x77: {  	[sflag:s30] =	ssyncadd.s32 $0xFFFFC000  }
0x78: {  	_ =	sfence.sel $0x180000  }
0x79: {  	[bflag:$0x0] =	sbarrier.arrive $0xFFFF  }
0x7a: {  	_ =	strace $0x90000047  }
0x7b: {  	s0 =	stileid.u32;
	[bflag:$0x2] =	sbarrier.arrive $0xFFFF  }
0x7c: {  	p0 =	sne.s32 s0, $0x0;
	s0 =	rddreg [dreg:$0x7]  }
0x7d: {  	s0 =	sadd.s32 @!p0 $0x100000, s0  }
0x7e: {  	[sflag:s0] =	ssyncadd.tile.s32 @!p0 $0x1;
	_ =	shalt  }
.Lfunc_end2:
_tile_overlayer_lowered:
.L_overlay_start_2:
0x7f: {  	(tag) =	ssettag $0x2  }
0x80: {  	s0 =	rddreg [dreg:$0x0];
	s2 =	stileid.u32  }
0x81: {  	s1 =	rddreg [dreg:$0x1];
	p0 =	sne.s32 s2, $0x0  }
0x82: {  	s3 =	rddreg [dreg:$0x2];
	[bflag:$0x3] =	sbarrier.arrive $0xFFFF;
	s2 =	simm.s32 @!p0 $0x1C03  }
0x83: {  	[timem:s3], [sflag:s2] =	dma.local @!p0 [hbm:s0], s1  }
0x84: {  	s0 =	simm.s32 @!p0 $0x3  }
0x85: {  	_ =	swait.ge @!p0 [sflag:s0], s1  }
0x86: {  	s1 =	ssub.s32 @!p0 $0x0, s1;
	[sflag:s0] =	ssyncset.done @!p0 $0x0  }
0x87: {  	[sflag:s0] =	ssyncadd.s32 @!p0 s1  }
0x88: {  	[bflag:$0x3] =	sbarrier.arrive $0xFFFF  }
0x89: {  	_ =	shalt  }

</sc_bundles>
